<compile_context>
chip_gen: v7x
topology: tpu7x:2x2x1
jax: 0.10.2.dev20260603
libtpu: 0.0.44.dev20260713+nightly
codegen_flags: <defaults>
</compile_context>

<pallas_src>
import jax
import jax.numpy as jnp
from jax import lax
from jax.experimental import pallas as pl
from jax.experimental.pallas import tpu as pltpu
from jax.experimental.pallas import tpu_sc as plsc

B, C_E, HW = 8, 256, 1024
C_G = 256
N_EMBED = 1024
C_OUT = 512
BETA = 0.25
S = B * HW
BLK = 1024
NBLK = S // BLK

NC, NS = 2, 16
NW = NC * NS
PER_W = S // NW
CHUNK = 128
NCHUNK = PER_W // CHUNK


def _argmin_kernel(z_ref, cb_ref, idx_ref, loss_ref):
    i = pl.program_id(0)
    z = z_ref[...]
    cb = cb_ref[...]
    scores = lax.dot_general(z, cb, (((1,), (1,)), ((), ())),
                             preferred_element_type=jnp.float32)
    z_norm = jnp.sum(z * z, axis=1, keepdims=True)
    cb_norm = jnp.sum(cb * cb, axis=1)
    d = (z_norm + cb_norm[None, :]) - 2.0 * scores
    m = jnp.min(d, axis=1, keepdims=True)
    ks = lax.broadcasted_iota(jnp.int32, (BLK, N_EMBED), 1)
    idx = jnp.min(jnp.where(d == m, ks, N_EMBED), axis=1)
    idx_ref[0] = idx.astype(jnp.int32)[None, :]
    part = jnp.sum(m)

    @pl.when(i == 0)
    def _():
        loss_ref[...] = jnp.zeros_like(loss_ref)

    loss_ref[...] += jnp.full((1, 1), 0.0) + part


def _gather_body(cb_hbm, idx_hbm, out_hbm, idx_v, rows_v, sem):
    wid = lax.axis_index("s") * NC + lax.axis_index("c")
    base = wid * PER_W
    pltpu.sync_copy(idx_hbm.at[wid], idx_v)
    for j in range(NCHUNK):
        pltpu.async_copy(cb_hbm.at[idx_v.at[j]], rows_v, sem).wait()
        pltpu.sync_copy(rows_v, out_hbm.at[pl.ds(base + j * CHUNK, CHUNK)])


def _feat_kernel(q_ref, fg_ref, w_ref, b_ref, out_ref):
    q = q_ref[...].astype(jnp.bfloat16)
    fg = fg_ref[...].astype(jnp.bfloat16)
    w = w_ref[...].astype(jnp.bfloat16)
    t1 = lax.dot_general(q, w[:, :C_E], (((1,), (1,)), ((), ())),
                         preferred_element_type=jnp.float32)
    t2 = lax.dot_general(fg, w[:, C_E:], (((1,), (1,)), ((), ())),
                         preferred_element_type=jnp.float32)
    out_ref[...] = t1 + t2 + b_ref[...]


def kernel(h, f_gray, codebook, W_pq, b_pq):
    z_flat = jnp.transpose(h.reshape(B, C_E, HW), (0, 2, 1)).reshape(S, C_E)
    fg_flat = jnp.transpose(f_gray.reshape(B, C_G, HW), (0, 2, 1)).reshape(S, C_G)

    idx3, loss_sum = pl.pallas_call(
        _argmin_kernel,
        grid=(NBLK,),
        in_specs=[
            pl.BlockSpec((BLK, C_E), lambda i: (i, 0)),
            pl.BlockSpec((N_EMBED, C_E), lambda i: (0, 0)),
        ],
        out_specs=[
            pl.BlockSpec((1, 1, BLK), lambda i: (i, 0, 0)),
            pl.BlockSpec((1, 1), lambda i: (0, 0)),
        ],
        out_shape=[
            jax.ShapeDtypeStruct((NBLK, 1, BLK), jnp.int32),
            jax.ShapeDtypeStruct((1, 1), jnp.float32),
        ],
    )(z_flat, codebook)

    color_idx = idx3.reshape(B, HW)
    emb_loss = ((1.0 + BETA) / (S * C_E)) * loss_sum[0, 0]

    idx_w = idx3.reshape(NW, NCHUNK, CHUNK)

    gather = pl.kernel(
        _gather_body,
        out_type=jax.ShapeDtypeStruct((S, C_E), jnp.float32),
        mesh=plsc.VectorSubcoreMesh(core_axis_name="c", subcore_axis_name="s"),
        scratch_types=[
            pltpu.VMEM((NCHUNK, CHUNK), jnp.int32),
            pltpu.VMEM((CHUNK, C_E), jnp.float32),
            pltpu.SemaphoreType.DMA,
        ],
    )
    quant_rows = gather(codebook, idx_w)

    feat_flat = pl.pallas_call(
        _feat_kernel,
        grid=(NBLK,),
        in_specs=[
            pl.BlockSpec((BLK, C_E), lambda i: (i, 0)),
            pl.BlockSpec((BLK, C_G), lambda i: (i, 0)),
            pl.BlockSpec((C_OUT, C_E + C_G), lambda i: (0, 0)),
            pl.BlockSpec((1, C_OUT), lambda i: (0, 0)),
        ],
        out_specs=pl.BlockSpec((BLK, C_OUT), lambda i: (i, 0)),
        out_shape=jax.ShapeDtypeStruct((S, C_OUT), jnp.float32),
    )(quant_rows, fg_flat, W_pq, b_pq.reshape(1, C_OUT))

    feat = jnp.transpose(feat_flat.reshape(B, HW, C_OUT), (0, 2, 1))
    feat = feat.reshape(B, C_OUT, 32, 32)
    return feat, emb_loss, color_idx

# --- scband reference (transcript-rebuilt; emitter-appended) ---
"""Pipeline reference for scband-chroma-vqgan-88837103551070 (READ-ONLY COPY).

The authoritative reference and input builder live on the scoring server;
editing this copy changes nothing except your own understanding.
"""

import jax, jax.numpy as jnp
import numpy as np

B, C_E, H, W = 8, 256, 32, 32
C_G = 256
N_EMBED = 1024
C_OUT = 512
BETA = 0.25

def setup_inputs(seed: int = 0) -> dict:
    key = jax.random.key(seed)
    k1, k2, k3, k4, k5 = jax.random.split(key, 5)
    h = jax.random.normal(k1, (B, C_E, H, W), dtype=jnp.float32)
    f_gray = jax.random.normal(k2, (B, C_G, H, W), dtype=jnp.float32)
    codebook = jax.random.normal(k3, (N_EMBED, C_E), dtype=jnp.float32) * 0.02
    W_pq = jax.random.normal(k4, (C_OUT, C_E + C_G), dtype=jnp.float32) * (1.0 / np.sqrt(C_E + C_G))
    b_pq = jnp.zeros((C_OUT,), dtype=jnp.float32)
    return {"h": h, "f_gray": f_gray, "codebook": codebook, "W_pq": W_pq, "b_pq": b_pq}

def reference(h, f_gray, codebook, W_pq, b_pq):
    # --- encode path: quantize(h) (taming VectorQuantizer) ---
    z = jnp.transpose(h, (0, 2, 3, 1))              # [B,H,W,C]
    z_flat = z.reshape(-1, z.shape[-1])             # [BHW, C]
    d = (jnp.sum(z_flat ** 2, axis=1, keepdims=True)
         + jnp.sum(codebook ** 2, axis=1)
         - 2.0 * z_flat @ codebook.T)               # [BHW, K]
    idx = jnp.argmin(d, axis=1)                     # [BHW] int
    z_q = jnp.take(codebook, idx, axis=0).reshape(z.shape)  # [B,H,W,C]
    emb_loss = (jnp.mean((jax.lax.stop_gradient(z_q) - z) ** 2)
                + BETA * jnp.mean((z_q - jax.lax.stop_gradient(z)) ** 2))
    color_idx = idx.reshape(z.shape[0], -1)         # info[2].view(B, -1)
    # --- decode path: get_codebook_entry + concat + post_quant_conv (1x1) ---
    quant = jnp.take(codebook, color_idx.reshape(-1), axis=0)
    quant = quant.reshape(z.shape[0], z.shape[1], z.shape[2], -1)  # [B,H,W,C]
    quant = jnp.transpose(quant, (0, 3, 1, 2))      # [B,C,H,W]
    feat = jnp.concatenate([quant, f_gray], axis=1) # [B, C_E+C_G, H, W]
    feat = jnp.einsum('bchw,oc->bohw', feat, W_pq) + b_pq[None, :, None, None]
    return feat, emb_loss, color_idx

if __name__ == "__main__":
    import jax
    _d = setup_inputs()
    print(jax.jit(kernel)(*tuple(_d.values())))

</pallas_src>

<mosaic_0001>
#map = affine_map<(d0, d1) -> (0, 0)>
#map1 = affine_map<(d0, d1) -> (0, 0, 0)>
module attributes {stable_mosaic.version = 14 : i64} {
  func.func @_gather_body(%arg0: i32, %arg1: i32, %arg2: memref<1024x256xf32, #tpu.memory_space<hbm>>, %arg3: memref<32x2x128xi32, #tpu.memory_space<hbm>>, %arg4: memref<8192x256xf32, #tpu.memory_space<hbm>>, %arg5: memref<2x128xi32, #tpu.memory_space<vmem>>, %arg6: memref<128x256xf32, #tpu.memory_space<vmem>>, %arg7: memref<!tpu.dma_semaphore, #tpu.memory_space<semaphore_mem>>) attributes {dimension_semantics = [#tpu.dimension_semantics<core_parallel>, #tpu.dimension_semantics<subcore_parallel>], iteration_bounds = array<i64: 2, 16>, scalar_prefetch = 0 : i64, scratch_operands = 3 : i64, tpu.core_type = #tpu.core_type<sc_vector_subcore>, window_params = [{transform_indices = #map}, {transform_indices = #map1}, {transform_indices = #map}]} {
    %mul3A = arith.constant 2 : i32
    %mul3A_0 = arith.muli %arg1, %mul3A : i32
    %add3A = arith.addi %mul3A_0, %arg0 : i32
    %mul3A_1 = arith.constant 256 : i32
    %mul3A_2 = arith.muli %add3A, %mul3A_1 : i32
    "tpu.region"() ({
      %run_scoped3A = tpu.sem_alloc : memref<!tpu.dma_semaphore, #tpu.memory_space<semaphore_mem>>
      %dma_start3A_33 = arith.constant 0 : i32
      %dma_start3A_34 = arith.constant 0 : i32
      %dma_start3A_35 = tpu.memref_slice %arg3[%add3A, %dma_start3A_33, %dma_start3A_34] : memref<32x2x128xi32, #tpu.memory_space<hbm>> -> memref<1x2x128xi32, #tpu.memory_space<hbm>>
      %dma_start3A_36 = tpu.memref_squeeze %dma_start3A_35 : memref<1x2x128xi32, #tpu.memory_space<hbm>> -> memref<2x128xi32, #tpu.memory_space<hbm>>
      %dma_start3A_37 = arith.constant 0 : i32
      %dma_start3A_38 = arith.constant 0 : i32
      %dma_start3A_39 = tpu.memref_slice %arg3[%add3A, %dma_start3A_37, %dma_start3A_38] : memref<32x2x128xi32, #tpu.memory_space<hbm>> -> memref<1x2x128xi32, #tpu.memory_space<hbm>>
      %dma_start3A_40 = tpu.memref_squeeze %dma_start3A_39 : memref<1x2x128xi32, #tpu.memory_space<hbm>> -> memref<2x128xi32, #tpu.memory_space<hbm>>
      tpu.enqueue_dma source(%dma_start3A_40 : memref<2x128xi32, #tpu.memory_space<hbm>>) target(%arg5 : memref<2x128xi32, #tpu.memory_space<vmem>>) target_semaphore(%run_scoped3A : memref<!tpu.dma_semaphore, #tpu.memory_space<semaphore_mem>>)
      %dma_wait3A_41 = arith.constant 0 : i32
      %dma_wait3A_42 = arith.constant 0 : i32
      %dma_wait3A_43 = tpu.memref_slice %arg3[%add3A, %dma_wait3A_41, %dma_wait3A_42] : memref<32x2x128xi32, #tpu.memory_space<hbm>> -> memref<1x2x128xi32, #tpu.memory_space<hbm>>
      %dma_wait3A_44 = tpu.memref_squeeze %dma_wait3A_43 : memref<1x2x128xi32, #tpu.memory_space<hbm>> -> memref<2x128xi32, #tpu.memory_space<hbm>>
      %dma_wait3A_45 = arith.constant 0 : i32
      %dma_wait3A_46 = arith.constant 0 : i32
      %dma_wait3A_47 = tpu.memref_slice %arg3[%add3A, %dma_wait3A_45, %dma_wait3A_46] : memref<32x2x128xi32, #tpu.memory_space<hbm>> -> memref<1x2x128xi32, #tpu.memory_space<hbm>>
      %dma_wait3A_48 = tpu.memref_squeeze %dma_wait3A_47 : memref<1x2x128xi32, #tpu.memory_space<hbm>> -> memref<2x128xi32, #tpu.memory_space<hbm>>
      tpu.wait_dma2 semaphore(%run_scoped3A : memref<!tpu.dma_semaphore, #tpu.memory_space<semaphore_mem>>) src(%dma_wait3A_48 : memref<2x128xi32, #tpu.memory_space<hbm>>) dst(%arg5 : memref<2x128xi32, #tpu.memory_space<vmem>>)
      tpu.yield
    }) : () -> ()
    %dma_start3A = arith.constant 0 : i32
    %dma_start3A_3 = arith.constant 0 : i32
    %dma_start3A_4 = tpu.memref_slice %arg5[%dma_start3A, %dma_start3A_3] : memref<2x128xi32, #tpu.memory_space<vmem>> -> memref<1x128xi32, #tpu.memory_space<vmem>>
    %dma_start3A_5 = tpu.memref_squeeze %dma_start3A_4 : memref<1x128xi32, #tpu.memory_space<vmem>> -> memref<128xi32, #tpu.memory_space<vmem>>
    %dma_start3A_6 = arith.constant 0 : i32
    %dma_start3A_7 = arith.constant 0 : i32
    %dma_start3A_8 = tpu.memref_slice %arg2[%dma_start3A_6, %dma_start3A_7] : memref<1024x256xf32, #tpu.memory_space<hbm>> -> memref<1024x256xf32, #tpu.memory_space<hbm>>
    tpu.enqueue_indirect_dma source(%dma_start3A_8 : memref<1024x256xf32, #tpu.memory_space<hbm>>) target(%arg6 : memref<128x256xf32, #tpu.memory_space<vmem>>) offsets(%dma_start3A_5 : memref<128xi32, #tpu.memory_space<vmem>>) semaphore(%arg7 : memref<!tpu.dma_semaphore, #tpu.memory_space<semaphore_mem>>)
    %dma_wait3A = arith.constant 0 : i32
    %dma_wait3A_9 = arith.constant 0 : i32
    %dma_wait3A_10 = tpu.memref_slice %arg5[%dma_wait3A, %dma_wait3A_9] : memref<2x128xi32, #tpu.memory_space<vmem>> -> memref<1x128xi32, #tpu.memory_space<vmem>>
    %dma_wait3A_11 = tpu.memref_squeeze %dma_wait3A_10 : memref<1x128xi32, #tpu.memory_space<vmem>> -> memref<128xi32, #tpu.memory_space<vmem>>
    %dma_wait3A_12 = arith.constant 0 : i32
    %dma_wait3A_13 = arith.constant 0 : i32
    %dma_wait3A_14 = tpu.memref_slice %arg2[%dma_wait3A_12, %dma_wait3A_13] : memref<1024x256xf32, #tpu.memory_space<hbm>> -> memref<1024x256xf32, #tpu.memory_space<hbm>>
    tpu.wait_indirect_dma semaphore(%arg7 : memref<!tpu.dma_semaphore, #tpu.memory_space<semaphore_mem>>) src(%dma_wait3A_14 : memref<1024x256xf32, #tpu.memory_space<hbm>>) dst(%arg6 : memref<128x256xf32, #tpu.memory_space<vmem>>)
    %add3A_15 = arith.constant 0 : i32
    %add3A_16 = arith.addi %mul3A_2, %add3A_15 : i32
    "tpu.region"() ({
      %run_scoped3A = tpu.sem_alloc : memref<!tpu.dma_semaphore, #tpu.memory_space<semaphore_mem>>
      %dma_start3A_33 = arith.constant 0 : i32
      %dma_start3A_34 = tpu.memref_slice %arg4[%add3A_16, %dma_start3A_33] : memref<8192x256xf32, #tpu.memory_space<hbm>> -> memref<128x256xf32, #tpu.memory_space<hbm>>
      %dma_start3A_35 = arith.constant 0 : i32
      %dma_start3A_36 = tpu.memref_slice %arg4[%add3A_16, %dma_start3A_35] : memref<8192x256xf32, #tpu.memory_space<hbm>> -> memref<128x256xf32, #tpu.memory_space<hbm>>
      tpu.enqueue_dma source(%arg6 : memref<128x256xf32, #tpu.memory_space<vmem>>) target(%dma_start3A_36 : memref<128x256xf32, #tpu.memory_space<hbm>>) target_semaphore(%run_scoped3A : memref<!tpu.dma_semaphore, #tpu.memory_space<semaphore_mem>>)
      %dma_wait3A_37 = arith.constant 0 : i32
      %dma_wait3A_38 = tpu.memref_slice %arg4[%add3A_16, %dma_wait3A_37] : memref<8192x256xf32, #tpu.memory_space<hbm>> -> memref<128x256xf32, #tpu.memory_space<hbm>>
      %dma_wait3A_39 = arith.constant 0 : i32
      %dma_wait3A_40 = tpu.memref_slice %arg4[%add3A_16, %dma_wait3A_39] : memref<8192x256xf32, #tpu.memory_space<hbm>> -> memref<128x256xf32, #tpu.memory_space<hbm>>
      tpu.wait_dma2 semaphore(%run_scoped3A : memref<!tpu.dma_semaphore, #tpu.memory_space<semaphore_mem>>) src(%arg6 : memref<128x256xf32, #tpu.memory_space<vmem>>) dst(%dma_wait3A_40 : memref<128x256xf32, #tpu.memory_space<hbm>>)
      tpu.yield
    }) : () -> ()
    %dma_start3A_17 = arith.constant 1 : i32
    %dma_start3A_18 = arith.constant 0 : i32
    %dma_start3A_19 = tpu.memref_slice %arg5[%dma_start3A_17, %dma_start3A_18] : memref<2x128xi32, #tpu.memory_space<vmem>> -> memref<1x128xi32, #tpu.memory_space<vmem>>
    %dma_start3A_20 = tpu.memref_squeeze %dma_start3A_19 : memref<1x128xi32, #tpu.memory_space<vmem>> -> memref<128xi32, #tpu.memory_space<vmem>>
    %dma_start3A_21 = arith.constant 0 : i32
    %dma_start3A_22 = arith.constant 0 : i32
    %dma_start3A_23 = tpu.memref_slice %arg2[%dma_start3A_21, %dma_start3A_22] : memref<1024x256xf32, #tpu.memory_space<hbm>> -> memref<1024x256xf32, #tpu.memory_space<hbm>>
    tpu.enqueue_indirect_dma source(%dma_start3A_23 : memref<1024x256xf32, #tpu.memory_space<hbm>>) target(%arg6 : memref<128x256xf32, #tpu.memory_space<vmem>>) offsets(%dma_start3A_20 : memref<128xi32, #tpu.memory_space<vmem>>) semaphore(%arg7 : memref<!tpu.dma_semaphore, #tpu.memory_space<semaphore_mem>>)
    %dma_wait3A_24 = arith.constant 1 : i32
    %dma_wait3A_25 = arith.constant 0 : i32
    %dma_wait3A_26 = tpu.memref_slice %arg5[%dma_wait3A_24, %dma_wait3A_25] : memref<2x128xi32, #tpu.memory_space<vmem>> -> memref<1x128xi32, #tpu.memory_space<vmem>>
    %dma_wait3A_27 = tpu.memref_squeeze %dma_wait3A_26 : memref<1x128xi32, #tpu.memory_space<vmem>> -> memref<128xi32, #tpu.memory_space<vmem>>
    %dma_wait3A_28 = arith.constant 0 : i32
    %dma_wait3A_29 = arith.constant 0 : i32
    %dma_wait3A_30 = tpu.memref_slice %arg2[%dma_wait3A_28, %dma_wait3A_29] : memref<1024x256xf32, #tpu.memory_space<hbm>> -> memref<1024x256xf32, #tpu.memory_space<hbm>>
    tpu.wait_indirect_dma semaphore(%arg7 : memref<!tpu.dma_semaphore, #tpu.memory_space<semaphore_mem>>) src(%dma_wait3A_30 : memref<1024x256xf32, #tpu.memory_space<hbm>>) dst(%arg6 : memref<128x256xf32, #tpu.memory_space<vmem>>)
    %add3A_31 = arith.constant 128 : i32
    %add3A_32 = arith.addi %mul3A_2, %add3A_31 : i32
    "tpu.region"() ({
      %run_scoped3A = tpu.sem_alloc : memref<!tpu.dma_semaphore, #tpu.memory_space<semaphore_mem>>
      %dma_start3A_33 = arith.constant 0 : i32
      %dma_start3A_34 = tpu.memref_slice %arg4[%add3A_32, %dma_start3A_33] : memref<8192x256xf32, #tpu.memory_space<hbm>> -> memref<128x256xf32, #tpu.memory_space<hbm>>
      %dma_start3A_35 = arith.constant 0 : i32
      %dma_start3A_36 = tpu.memref_slice %arg4[%add3A_32, %dma_start3A_35] : memref<8192x256xf32, #tpu.memory_space<hbm>> -> memref<128x256xf32, #tpu.memory_space<hbm>>
      tpu.enqueue_dma source(%arg6 : memref<128x256xf32, #tpu.memory_space<vmem>>) target(%dma_start3A_36 : memref<128x256xf32, #tpu.memory_space<hbm>>) target_semaphore(%run_scoped3A : memref<!tpu.dma_semaphore, #tpu.memory_space<semaphore_mem>>)
      %dma_wait3A_37 = arith.constant 0 : i32
      %dma_wait3A_38 = tpu.memref_slice %arg4[%add3A_32, %dma_wait3A_37] : memref<8192x256xf32, #tpu.memory_space<hbm>> -> memref<128x256xf32, #tpu.memory_space<hbm>>
      %dma_wait3A_39 = arith.constant 0 : i32
      %dma_wait3A_40 = tpu.memref_slice %arg4[%add3A_32, %dma_wait3A_39] : memref<8192x256xf32, #tpu.memory_space<hbm>> -> memref<128x256xf32, #tpu.memory_space<hbm>>
      tpu.wait_dma2 semaphore(%run_scoped3A : memref<!tpu.dma_semaphore, #tpu.memory_space<semaphore_mem>>) src(%arg6 : memref<128x256xf32, #tpu.memory_space<vmem>>) dst(%dma_wait3A_40 : memref<128x256xf32, #tpu.memory_space<hbm>>)
      tpu.yield
    }) : () -> ()
    return
  }
}

module attributes {stable_mosaic.version = 14 : i64} {
  func.func @_argmin_kernel(%arg0: i32, %arg1: memref<1024x256xf32, #tpu.memory_space<vmem>>, %arg2: memref<1024x256xf32, #tpu.memory_space<vmem>>, %arg3: memref<1x1x1024xi32, #tpu.memory_space<vmem>>, %arg4: memref<1x1xf32, #tpu.memory_space<vmem>>) attributes {dimension_semantics = [#tpu.dimension_semantics<arbitrary>], iteration_bounds = array<i64: 8>, scalar_prefetch = 0 : i64, scratch_operands = 0 : i64, tpu.core_type = #tpu.core_type<tc>, window_params = [{transform_indices = @transform_0, window_bounds = array<i64: 1024, 256>}, {pipeline_mode = #tpu.pipeline_mode<synchronous>, transform_indices = @transform_1, window_bounds = array<i64: 1024, 256>}, {transform_indices = @transform_2, window_bounds = array<i64: 1, 1, 1024>}, {pipeline_mode = #tpu.pipeline_mode<synchronous>, transform_indices = @transform_3, window_bounds = array<i64: 1, 1>}]} {
    %get3A = arith.constant 0 : index
    %get3A_0 = arith.constant 0 : index
    %get3A_1 = vector.load %arg1[%get3A, %get3A_0] : memref<1024x256xf32, #tpu.memory_space<vmem>>, vector<1024x256xf32>
    %get3A_2 = arith.constant 0 : index
    %get3A_3 = arith.constant 0 : index
    %get3A_4 = vector.load %arg2[%get3A_2, %get3A_3] : memref<1024x256xf32, #tpu.memory_space<vmem>>, vector<1024x256xf32>
    %dot_general3A = arith.constant dense<0.000000e+00> : vector<1024x1024xf32>
    %dot_general3A_5 = tpu.matmul %get3A_1, %get3A_4, %dot_general3A {dimension_numbers = #tpu.dot_dimension_numbers<[1], [1], [0], [0], [0, 0, 1, 0], [], []>, transpose_lhs_hint = false} : vector<1024x256xf32>, vector<1024x256xf32>, vector<1024x1024xf32> -> vector<1024x1024xf32>
    %mul3A = arith.mulf %get3A_1, %get3A_1 : vector<1024x256xf32>
    %reduce_sum3A = arith.constant dense<0.000000e+00> : vector<1024xf32>
    %reduce_sum3A_6 = vector.multi_reduction <add>, %mul3A, %reduce_sum3A [1] : vector<1024x256xf32> to vector<1024xf32>
    %broadcast_in_dim3A = vector.shape_cast %reduce_sum3A_6 : vector<1024xf32> to vector<1024x1xf32>
    %mul3A_7 = arith.mulf %get3A_4, %get3A_4 : vector<1024x256xf32>
    %reduce_sum3A_8 = arith.constant dense<0.000000e+00> : vector<1024xf32>
    %reduce_sum3A_9 = vector.multi_reduction <add>, %mul3A_7, %reduce_sum3A_8 [1] : vector<1024x256xf32> to vector<1024xf32>
    %broadcast_in_dim3A_10 = vector.shape_cast %reduce_sum3A_9 : vector<1024xf32> to vector<1x1024xf32>
    %add3A = vector.broadcast %broadcast_in_dim3A : vector<1024x1xf32> to vector<1024x1024xf32>
    %add3A_11 = vector.broadcast %broadcast_in_dim3A_10 : vector<1x1024xf32> to vector<1024x1024xf32>
    %add3A_12 = arith.addf %add3A, %add3A_11 : vector<1024x1024xf32>
    %mul3A_13 = arith.constant 2.000000e+00 : f32
    %mul3A_14 = vector.broadcast %mul3A_13 : f32 to vector<1024x1024xf32>
    %mul3A_15 = arith.mulf %mul3A_14, %dot_general3A_5 : vector<1024x1024xf32>
    %sub3A = arith.subf %add3A_12, %mul3A_15 : vector<1024x1024xf32>
    %reduce_min3A = arith.constant dense<0x7F800000> : vector<1024xf32>
    %reduce_min3A_16 = vector.multi_reduction <minimumf>, %sub3A, %reduce_min3A [1] : vector<1024x1024xf32> to vector<1024xf32>
    %broadcast_in_dim3A_17 = vector.shape_cast %reduce_min3A_16 : vector<1024xf32> to vector<1024x1xf32>
    %iota3A = tpu.iota {dimensions = array<i32: 1>} : vector<1024x1024xi32>
    %eq3A = vector.broadcast %broadcast_in_dim3A_17 : vector<1024x1xf32> to vector<1024x1024xf32>
    %eq3A_18 = arith.cmpf oeq, %sub3A, %eq3A : vector<1024x1024xf32>
    %jit3A = arith.constant 1024 : i32
    %broadcast_in_dim3A_19 = vector.broadcast %jit3A : i32 to vector<1024x1024xi32>
    %select_n3A = arith.select %eq3A_18, %iota3A, %broadcast_in_dim3A_19 : vector<1024x1024xi1>, vector<1024x1024xi32>
    %reduce_min3A_20 = arith.constant dense<2147483647> : vector<1024xi32>
    %reduce_min3A_21 = vector.multi_reduction <minsi>, %select_n3A, %reduce_min3A_20 [1] : vector<1024x1024xi32> to vector<1024xi32>
    %broadcast_in_dim3A_22 = vector.shape_cast %reduce_min3A_21 : vector<1024xi32> to vector<1x1024xi32>
    %swap3A = arith.constant 0 : index
    %swap3A_23 = arith.constant 0 : index
    %swap3A_24 = arith.constant 0 : index
    %swap3A_25 = vector.load %arg3[%swap3A, %swap3A_23, %swap3A_24] : memref<1x1x1024xi32, #tpu.memory_space<vmem>>, vector<1x1x1024xi32>
    %swap3A_26 = vector.shape_cast %swap3A_25 : vector<1x1x1024xi32> to vector<1x1024xi32>
    %swap3A_27 = vector.shape_cast %broadcast_in_dim3A_22 : vector<1x1024xi32> to vector<1x1x1024xi32>
    tpu.vector_store %arg3[%swap3A, %swap3A_23, %swap3A_24], %swap3A_27 {strides = array<i32>} : memref<1x1x1024xi32, #tpu.memory_space<vmem>>, vector<1x1x1024xi32>,
    %reduce_sum3A_28 = vector.shape_cast %broadcast_in_dim3A_17 : vector<1024x1xf32> to vector<1x1024x1xf32>
    %reduce_sum3A_29 = arith.constant dense<0.000000e+00> : vector<1xf32>
    %reduce_sum3A_30 = vector.multi_reduction <add>, %reduce_sum3A_28, %reduce_sum3A_29 [1, 2] : vector<1x1024x1xf32> to vector<1xf32>
    %reduce_sum3A_31 = vector.shape_cast %reduce_sum3A_30 : vector<1xf32> to vector<1x1x1xf32>
    %reduce_sum3A_32 = vector.extract %reduce_sum3A_31[0, 0, 0] : f32 from vector<1x1x1xf32>
    %eq3A_33 = arith.constant 0 : i32
    %eq3A_34 = arith.cmpi eq, %arg0, %eq3A_33 : i32
    %convert_element_type3A = arith.extui %eq3A_34 : i1 to i32
    %cond3A = arith.constant 0 : i32
    %cond3A_35 = arith.cmpi ne, %convert_element_type3A, %cond3A : i32
    scf.if %cond3A_35 {
      %broadcast_in_dim3A_47 = arith.constant 0.000000e+00 : f32
      %broadcast_in_dim3A_48 = vector.broadcast %broadcast_in_dim3A_47 : f32 to vector<1x1xf32>
      %swap3A_49 = arith.constant 0 : index
      %swap3A_50 = arith.constant 0 : index
      %swap3A_51 = vector.load %arg4[%swap3A_49, %swap3A_50] : memref<1x1xf32, #tpu.memory_space<vmem>>, vector<1x1xf32>
      tpu.vector_store %arg4[%swap3A_49, %swap3A_50], %broadcast_in_dim3A_48 {strides = array<i32>} : memref<1x1xf32, #tpu.memory_space<vmem>>, vector<1x1xf32>,
    } else {
    }
    %get3A_36 = arith.constant 0 : index
    %get3A_37 = arith.constant 0 : index
    %get3A_38 = vector.load %arg4[%get3A_36, %get3A_37] : memref<1x1xf32, #tpu.memory_space<vmem>>, vector<1x1xf32>
    %broadcast_in_dim3A_39 = arith.constant 0.000000e+00 : f32
    %broadcast_in_dim3A_40 = vector.broadcast %broadcast_in_dim3A_39 : f32 to vector<1x1xf32>
    %add3A_41 = vector.broadcast %reduce_sum3A_32 : f32 to vector<1x1xf32>
    %add3A_42 = arith.addf %broadcast_in_dim3A_40, %add3A_41 : vector<1x1xf32>
    %add3A_43 = arith.addf %get3A_38, %add3A_42 : vector<1x1xf32>
    %swap3A_44 = arith.constant 0 : index
    %swap3A_45 = arith.constant 0 : index
    %swap3A_46 = vector.load %arg4[%swap3A_44, %swap3A_45] : memref<1x1xf32, #tpu.memory_space<vmem>>, vector<1x1xf32>
    tpu.vector_store %arg4[%swap3A_44, %swap3A_45], %add3A_43 {strides = array<i32>} : memref<1x1xf32, #tpu.memory_space<vmem>>, vector<1x1xf32>,
    return
  }
  func.func @transform_0(%arg0: i32) -> (i32, i32) {
    %c0_i32 = arith.constant 0 : i32
    %c0_i32_0 = arith.constant 0 : i32
    return %arg0, %c0_i32 : i32, i32
  }
  func.func @transform_1(%arg0: i32) -> (i32, i32) {
    %c0_i32 = arith.constant 0 : i32
    %c0_i32_0 = arith.constant 0 : i32
    %c0_i32_1 = arith.constant 0 : i32
    return %c0_i32, %c0_i32_0 : i32, i32
  }
  func.func @transform_2(%arg0: i32) -> (i32, i32, i32) {
    %c0_i32 = arith.constant 0 : i32
    %c0_i32_0 = arith.constant 0 : i32
    %c0_i32_1 = arith.constant 0 : i32
    return %arg0, %c0_i32, %c0_i32_0 : i32, i32, i32
  }
  func.func @transform_3(%arg0: i32) -> (i32, i32) {
    %c0_i32 = arith.constant 0 : i32
    %c0_i32_0 = arith.constant 0 : i32
    %c0_i32_1 = arith.constant 0 : i32
    return %c0_i32, %c0_i32_0 : i32, i32
  }
}

module attributes {stable_mosaic.version = 14 : i64} {
  func.func @_feat_kernel(%arg0: i32, %arg1: memref<1024x256xf32, #tpu.memory_space<vmem>>, %arg2: memref<1024x256xf32, #tpu.memory_space<vmem>>, %arg3: memref<512x512xf32, #tpu.memory_space<vmem>>, %arg4: memref<1x512xf32, #tpu.memory_space<vmem>>, %arg5: memref<1024x512xf32, #tpu.memory_space<vmem>>) attributes {dimension_semantics = [#tpu.dimension_semantics<arbitrary>], iteration_bounds = array<i64: 8>, scalar_prefetch = 0 : i64, scratch_operands = 0 : i64, tpu.core_type = #tpu.core_type<tc>, window_params = [{transform_indices = @transform_0, window_bounds = array<i64: 1024, 256>}, {transform_indices = @transform_1, window_bounds = array<i64: 1024, 256>}, {pipeline_mode = #tpu.pipeline_mode<synchronous>, transform_indices = @transform_2, window_bounds = array<i64: 512, 512>}, {pipeline_mode = #tpu.pipeline_mode<synchronous>, transform_indices = @transform_3, window_bounds = array<i64: 1, 512>}, {transform_indices = @transform_4, window_bounds = array<i64: 1024, 512>}]} {
    %get3A = arith.constant 0 : index
    %get3A_0 = arith.constant 0 : index
    %get3A_1 = vector.load %arg1[%get3A, %get3A_0] : memref<1024x256xf32, #tpu.memory_space<vmem>>, vector<1024x256xf32>
    %convert_element_type3A = arith.truncf %get3A_1 : vector<1024x256xf32> to vector<1024x256xbf16>
    %get3A_2 = arith.constant 0 : index
    %get3A_3 = arith.constant 0 : index
    %get3A_4 = vector.load %arg2[%get3A_2, %get3A_3] : memref<1024x256xf32, #tpu.memory_space<vmem>>, vector<1024x256xf32>
    %convert_element_type3A_5 = arith.truncf %get3A_4 : vector<1024x256xf32> to vector<1024x256xbf16>
    %get3A_6 = arith.constant 0 : index
    %get3A_7 = arith.constant 0 : index
    %get3A_8 = vector.load %arg3[%get3A_6, %get3A_7] : memref<512x512xf32, #tpu.memory_space<vmem>>, vector<512x512xf32>
    %convert_element_type3A_9 = arith.truncf %get3A_8 : vector<512x512xf32> to vector<512x512xbf16>
    %slice3A = vector.extract_strided_slice %convert_element_type3A_9 {offsets = [0, 0], sizes = [512, 256], strides = [1, 1]} : vector<512x512xbf16> to vector<512x256xbf16>
    %dot_general3A = arith.constant dense<0.000000e+00> : vector<1024x512xf32>
    %dot_general3A_10 = tpu.matmul %convert_element_type3A, %slice3A, %dot_general3A {dimension_numbers = #tpu.dot_dimension_numbers<[1], [1], [0], [0], [0, 0, 1, 0], [], []>, transpose_lhs_hint = false} : vector<1024x256xbf16>, vector<512x256xbf16>, vector<1024x512xf32> -> vector<1024x512xf32>
    %slice3A_11 = vector.extract_strided_slice %convert_element_type3A_9 {offsets = [0, 256], sizes = [512, 256], strides = [1, 1]} : vector<512x512xbf16> to vector<512x256xbf16>
    %dot_general3A_12 = arith.constant dense<0.000000e+00> : vector<1024x512xf32>
    %dot_general3A_13 = tpu.matmul %convert_element_type3A_5, %slice3A_11, %dot_general3A_12 {dimension_numbers = #tpu.dot_dimension_numbers<[1], [1], [0], [0], [0, 0, 1, 0], [], []>, transpose_lhs_hint = false} : vector<1024x256xbf16>, vector<512x256xbf16>, vector<1024x512xf32> -> vector<1024x512xf32>
    %add3A = arith.addf %dot_general3A_10, %dot_general3A_13 : vector<1024x512xf32>
    %get3A_14 = arith.constant 0 : index
    %get3A_15 = arith.constant 0 : index
    %get3A_16 = vector.load %arg4[%get3A_14, %get3A_15] : memref<1x512xf32, #tpu.memory_space<vmem>>, vector<1x512xf32>
    %add3A_17 = vector.broadcast %get3A_16 : vector<1x512xf32> to vector<1024x512xf32>
    %add3A_18 = arith.addf %add3A, %add3A_17 : vector<1024x512xf32>
    %swap3A = arith.constant 0 : index
    %swap3A_19 = arith.constant 0 : index
    %swap3A_20 = vector.load %arg5[%swap3A, %swap3A_19] : memref<1024x512xf32, #tpu.memory_space<vmem>>, vector<1024x512xf32>
    tpu.vector_store %arg5[%swap3A, %swap3A_19], %add3A_18 {strides = array<i32>} : memref<1024x512xf32, #tpu.memory_space<vmem>>, vector<1024x512xf32>,
    return
  }
  func.func @transform_0(%arg0: i32) -> (i32, i32) {
    %c0_i32 = arith.constant 0 : i32
    %c0_i32_0 = arith.constant 0 : i32
    return %arg0, %c0_i32 : i32, i32
  }
  func.func @transform_1(%arg0: i32) -> (i32, i32) {
    %c0_i32 = arith.constant 0 : i32
    %c0_i32_0 = arith.constant 0 : i32
    return %arg0, %c0_i32 : i32, i32
  }
  func.func @transform_2(%arg0: i32) -> (i32, i32) {
    %c0_i32 = arith.constant 0 : i32
    %c0_i32_0 = arith.constant 0 : i32
    %c0_i32_1 = arith.constant 0 : i32
    return %c0_i32, %c0_i32_0 : i32, i32
  }
  func.func @transform_3(%arg0: i32) -> (i32, i32) {
    %c0_i32 = arith.constant 0 : i32
    %c0_i32_0 = arith.constant 0 : i32
    %c0_i32_1 = arith.constant 0 : i32
    return %c0_i32, %c0_i32_0 : i32, i32
  }
  func.func @transform_4(%arg0: i32) -> (i32, i32) {
    %c0_i32 = arith.constant 0 : i32
    %c0_i32_0 = arith.constant 0 : i32
    return %arg0, %c0_i32 : i32, i32
  }
}

</mosaic_0001>

<sc_bundles>
// kernel: kernel.5.cloned.1.call-start
scs
__scs_entry_jumppad:
0x0: {  	(pc) =	sbr.rel $0x88, $3  }
0x1: {  	(tag) =	ssettag $0x0;
	lr =	simm.s32 $0x1  }
0x2: {  	[smem:$0x3F9C] =	sst lr;
	_ =	strace $0xD0000000  }
0x3: {  	_ = 	snop  }
0x4: {  	_ = 	snop  }
0x5: {  	_ = 	snop  }
0x6: {  	_ = 	snop  }
0x7: {  	_ = 	snop  }
__scs_overlays_trampoline_lowered:
0x8: {  	[smem:$0x3FAB] =	sst s0  }
0x9: {  	[smem:$0x3FAC] =	sst s1  }
0xa: {  	[smem:$0x3FAD] =	sst s2  }
0xb: {  	[smem:$0x3FAE] =	sst s3  }
0xc: {  	[smem:$0x3FAF] =	sst s4  }
0xd: {  	[smem:$0x3FB0] =	sst s5  }
0xe: {  	[smem:$0x3FB1] =	sst s6  }
0xf: {  	[smem:$0x3FB2] =	sst s7  }
0x10: {  	[smem:$0x3FB3] =	sst s8  }
0x11: {  	[smem:$0x3FB4] =	sst s9;
	s0 =	simm.s32 @!p0 $0x0  }
0x12: {  	s1 =	sld [smem:$0x3F9A];
	s0 =	simm.s32 @p0 $0x1  }
0x13: {  	[smem:$0x3FB5] =	sst s0;
	s0 =	simm.s32 @!p1 $0x0  }
0x14: {  	s2 =	sld [smem:$0x3F99];
	s0 =	simm.s32 @p1 $0x1  }
0x15: {  	[smem:$0x3FB6] =	sst s0;
	s0 =	simm.s32 @!p2 $0x0  }
0x16: {  	s3 =	sld [smem:$0x3FDB];
	s0 =	simm.s32 @p2 $0x1  }
0x17: {  	s4 =	simm.s32 $0x1BF5;
	[smem:$0x3FB8] =	sst s0  }
0x18: {  	s0 =	sld [smem:$0x3F9B];
	_ =	swait.ge [sflag:s4], $0x0  }
0x19: {  	s7 =	sld [smem:$0x3F9C]  }
0x1a: {  	s8 =	sadd.s32 $0xFFFFE003, lr  }
0x1b: {  	s9 =	sadd.s32 $0xFFFFFEF7, lr;
	s5 =	simm.s32 $0xFFFFFFFF;
	p2 =	slt.u32 s8, $0xFFFFF086  }
0x1c: {  	p1 =	slt.u32 s9, $0xF7A;
	s5 =	simm.s32 @!p2 $0x0  }
0x1d: {  	s5 =	simm.s32 @p1 $0x1;
	p0 =	seq.s32 s7, s2  }
0x1e: {  	s7 =	smul.u32 @!p0 $0xF7A, s2;
	p2 =	seq.s32 @!p0 s5, $0x0  }
0x1f: {  	s9 =	smul.u32 $0xF7A, s1;
	s8 =	simm.s32 @!p0 $0x1BF5;
	p2 =	por !p2, p0  }
0x20: {  	[sflag:s8] =	ssyncset.s32 @!p0 $0xFFFFF086;
	s6 =	sadd.s32 @!p0 s3, s7;
	s7 =	simm.s32 @!p0 $0x108  }
0x21: {  	s3 =	sadd.s32 s3, s9;
	s6 =	sadd.s32 @!p0 $0x88, s6;
	s7 =	simm.s32 @p2 $0x1082  }
0x22: {  	[simem:s7], [sflag:s8] =	dma.local @!p0 [hbm:s6], $0xF7A  }
0x23: {  	s9 =	sor.u32 $0xD0000000, s2;
	s6 =	simm.s32 $0x108;
	_ =	swait.ge @!p0 [sflag:s8], $0x0  }
0x24: {  	s3 =	sadd.s32 $0x88, s3;
	s6 =	simm.s32 @!p1 $0x1082;
	[sflag:s4] =	ssyncset.s32 $0xFFFFF086  }
0x25: {  	[simem:s6], [sflag:s4] =	dma.local [hbm:s3], $0xF7A  }
0x26: {  	[smem:$0x3F9C] =	sst s1;
	(tag) =	ssettag s2;
	_ =	strace s9  }
0x27: {  	s1 =	sld [smem:$0x3FAC]  }
0x28: {  	s2 =	sld [smem:$0x3FAD]  }
0x29: {  	s4 =	sld [smem:$0x3FAF]  }
0x2a: {  	p0 =	seq.s32 s5, $0x0;
	s5 =	sld [smem:$0x3FB0]  }
0x2b: {  	s6 =	sld [smem:$0x3FB1]  }
0x2c: {  	s7 =	sld [smem:$0x3FB2]  }
0x2d: {  	s3 =	simm.s32 $0x108;
	s8 =	sld [smem:$0x3FB3]  }
0x2e: {  	s3 =	simm.s32 @!p0 $0x1082;
	s9 =	sld [smem:$0x3FB4]  }
0x2f: {  	lr =	sadd.s32 s0, s3;
	s0 =	sld [smem:$0x3FAB]  }
0x30: {  	s3 =	sld [smem:$0x3FAE]  }
0x31: {  	[smem:$0x3FB7] =	sst s10  }
0x32: {  	s10 =	sld [smem:$0x3FB5];
	_ =	sdelay $0x3  }
0x33: {  	p0 =	seq.s32 s10, $0x1;
	s10 =	sld [smem:$0x3FB7];
	_ =	sdelay $0x3  }
0x34: {  	[smem:$0x3FB7] =	sst s10  }
0x35: {  	s10 =	sld [smem:$0x3FB6];
	_ =	sdelay $0x3  }
0x36: {  	p1 =	seq.s32 s10, $0x1;
	s10 =	sld [smem:$0x3FB7];
	_ =	sdelay $0x3  }
0x37: {  	[smem:$0x3FB7] =	sst s10  }
0x38: {  	s10 =	sld [smem:$0x3FB8]  }
0x39: {  	_ = 	snop;
	(pc) =	sbr.ind lr, $3  }
0x3a: {  	_ = 	snop  }
0x3b: {  	_ = 	snop  }
0x3c: {  	p2 =	seq.s32 s10, $0x1;
	s10 =	sld [smem:$0x3FB7]  }
0x3d: {  	_ =	shalt  }
0x3e: {  	_ =	shalt  }
0x3f: {  	_ =	shalt  }
0x40: {  	_ =	shalt  }
0x41: {  	_ =	shalt  }
0x42: {  	_ =	shalt  }
0x43: {  	_ =	shalt  }
0x44: {  	_ =	shalt  }
0x45: {  	_ =	shalt  }
0x46: {  	_ =	shalt  }
0x47: {  	_ =	shalt  }
0x48: {  	_ =	shalt  }
0x49: {  	_ =	shalt  }
0x4a: {  	_ =	shalt  }
0x4b: {  	_ =	shalt  }
0x4c: {  	_ =	shalt  }
0x4d: {  	_ =	shalt  }
0x4e: {  	_ =	shalt  }
0x4f: {  	_ =	shalt  }
0x50: {  	_ =	shalt  }
0x51: {  	_ =	shalt  }
0x52: {  	_ =	shalt  }
0x53: {  	_ =	shalt  }
0x54: {  	_ =	shalt  }
0x55: {  	_ =	shalt  }
0x56: {  	_ =	shalt  }
0x57: {  	_ =	shalt  }
0x58: {  	_ =	shalt  }
0x59: {  	_ =	shalt  }
0x5a: {  	_ =	shalt  }
0x5b: {  	_ =	shalt  }
0x5c: {  	_ =	shalt  }
0x5d: {  	_ =	shalt  }
0x5e: {  	_ =	shalt  }
0x5f: {  	_ =	shalt  }
0x60: {  	_ =	shalt  }
0x61: {  	_ =	shalt  }
0x62: {  	_ =	shalt  }
0x63: {  	_ =	shalt  }
0x64: {  	_ =	shalt  }
0x65: {  	_ =	shalt  }
0x66: {  	_ =	shalt  }
0x67: {  	_ =	shalt  }
0x68: {  	_ =	shalt  }
0x69: {  	_ =	shalt  }
0x6a: {  	_ =	shalt  }
0x6b: {  	_ =	shalt  }
0x6c: {  	_ =	shalt  }
0x6d: {  	_ =	shalt  }
0x6e: {  	_ =	shalt  }
0x6f: {  	_ =	shalt  }
0x70: {  	_ =	shalt  }
0x71: {  	_ =	shalt  }
0x72: {  	_ =	shalt  }
0x73: {  	_ =	shalt  }
0x74: {  	_ =	shalt  }
0x75: {  	_ =	shalt  }
0x76: {  	_ =	shalt  }
0x77: {  	_ =	shalt  }
0x78: {  	_ =	shalt  }
0x79: {  	_ =	shalt  }
0x7a: {  	_ =	shalt  }
0x7b: {  	_ =	shalt  }
0x7c: {  	_ =	shalt  }
0x7d: {  	_ =	shalt  }
0x7e: {  	_ =	shalt  }
0x7f: {  	_ =	shalt  }
0x80: {  	_ =	shalt  }
0x81: {  	_ =	shalt  }
0x82: {  	_ =	shalt  }
0x83: {  	_ =	shalt  }
0x84: {  	_ =	shalt  }
0x85: {  	_ =	shalt  }
0x86: {  	_ =	shalt  }
0x87: {  	_ =	shalt  }
.Lfunc_end0:
.L_simem_size_0:
called_computation_lowered:
.L_overlay_start_0:
0x88: {  	s2 =	sld [smem:$0x3FD9]  }
0x89: {  	s3 =	sld [smem:$0x3FFE];
	_ =	sdelay $0x1  }
0x8a: {  	s1 =	srdreg.scid  }
0x8b: {  	s0 =	sand.u32 $0x1, s1  }
0x8c: {  	s14 =	sshll.u32 s0, $0xA;
	s2 =	sadd.s32 s3, s2  }
0x8d: {  	s2 =	sadd.s32 s2, s14  }
0x8e: {  	[smem:$0x3FC3] =	sst s2  }
0x8f: {  	_ = 	snop  }
0x90: {  	s2 =	sld [smem:$0x3FD0];
	_ =	sdelay $0x2  }
0x91: {  	s4 =	simm.s32 $0xA;
	s5 =	simm.s32 $0x10;
	s15 =	sld [smem:$0x3FC7]  }
0x92: {  	[smem:s5], [sflag:s4] =	dma.local [hbm:s2], $0x1  }
0x93: {  	_ =	swait.eq [sflag:s4], $0x1  }
0x94: {  	[sflag:s4] =	ssyncset.done $0x0  }
0x95: {  	[sflag:s4] =	ssyncadd.s32 $0xFFFFFFFF  }
0x96: {  	s16 =	sld [smem:$0x10];
	(tm) =	ssettm $0x1  }
0x97: {  	s17 =	sld [smem:$0x3FFB];
	_ =	sdelay $0x3  }
0x98: {  	_ =	strace s17  }
0x99: {  	s4 =	sld [smem:$0x3FFC];
	_ =	sdelay $0x3  }
0x9a: {  	_ =	strace s4  }
0x9b: {  	s4 =	sld [smem:$0x3FFD];
	_ =	sdelay $0x3  }
0x9c: {  	_ =	strace s4  }
0x9d: {  	_ =	strace $0x8FFFFFFF  }
0x9e: {  	s18 =	sld [smem:$0x3FDB];
	_ =	sdelay $0x1  }
0x9f: {  	s19 =	simm.s32 $_scs_section_size  }
0xa0: {  	s6 =	simm.s32 $_size__tile_overlayer_lowered;
	s7 =	simm.s32 $_tile_overlayer_lowered  }
0xa1: {  	s22 =	simm.s32 $0x1BFF;
	s21 =	sshll.u32 s7, $0x1;
	s4 =	sadd.s32 s19, s18  }
0xa2: {  	s8 =	simm.s32 $0x0;
	s20 =	sshll.u32 s6, $0x1;
	s6 =	sadd.s32 s21, s4  }
0xa3: {  	[timem:s8], [sflag:s22] =	dma.local [hbm:s6], s20  }
0xa4: {  	_ =	swait.ge [sflag:s22], s20  }
0xa5: {  	s5 =	ssub.s32 $0x0, s20;
	[sflag:s22] =	ssyncset.done $0x0  }
0xa6: {  	[sflag:s22] =	ssyncadd.s32 s5;
	_ =	sdelay $0x1  }
0xa7: {  	s23 =	simm.s32 $0x1B8B  }
0xa8: {  	_ =	swait.ge [sflag:s23], $0x1  }
0xa9: {  	[sflag:s23] =	ssyncset.done $0x0  }
0xaa: {  	s25 =	simm.s32 $0x1B8E;
	s24 =	sld [smem:$0x3FFE];
	[sflag:s23] =	ssyncadd.s32 $0xFFFFFFFF  }
0xab: {  	s26 =	simm.s32 $execute0_lowered;
	[smem:$0x3FD2] =	sst s25  }
0xac: {  	s6 =	sshll.u32 s26, $0x1;
	_ =	strace $0x80000046;
	[dreg:$0x1] =	wrdreg $0xFFFFFFFF  }
0xad: {  	s28 =	simm.s32 $_size_execute0_lowered;
	s4 =	sadd.s32 s4, s6;
	[dreg:$0x0] =	wrdreg $0x0  }
0xae: {  	s6 =	sshll.u32 s28, $0x1;
	[dreg:$0x2] =	wrdreg s4  }
0xaf: {  	[dreg:$0x3] =	wrdreg s6  }
0xb0: {  	[dreg:$0x4] =	wrdreg $0xC0  }
0xb1: {  	_ =	task [dreg:s8], $0x5FFFF  }
0xb2: {  	[dreg:$0x1] =	wrdreg $0xFFFFFFFF  }
0xb3: {  	[dreg:$0x0] =	wrdreg $0x60  }
0xb4: {  	[dreg:$0x2] =	wrdreg s15  }
0xb5: {  	[dreg:$0x3] =	wrdreg s24  }
0xb6: {  	[dreg:$0x4] =	wrdreg s16  }
0xb7: {  	[dreg:$0x5] =	wrdreg $0x9  }
0xb8: {  	_ =	task.clear_ibuf [dreg:s8], $0x6FFFF;
	_ =	strace $0x90000046  }
0xb9: {  	s29 =	simm.s32 $0x9;
	_ =	strace $0x80000048  }
0xba: {  	_ =	swait.ge [sflag:s29], $0x1  }
0xbb: {  	[sflag:s29] =	ssyncadd.s32 $0xFFFFFFFF  }
0xbc: {  	_ =	strace $0x90000048  }
0xbd: {  	_ =	sfence  }
0xbe: {  	s30 =	sld [smem:$0x0];
	_ =	sdelay $0x2  }
0xbf: {  	s31 =	sshll.u32 s1, $0xD;
	s1 =	sshrl.u32 s1, $0x2  }
0xc0: {  	s3 =	sand.u32 $0x4000, s31;
	s1 =	sadd.s32 s1, s30  }
0xc1: {  	s0 =	sor.u32 s3, s0;
	s1 =	sshll.u32 s1, $0x11  }
0xc2: {  	s0 =	sor.u32 s1, s0  }
0xc3: {  	s0 =	sadd.s32 $0x8F2B, s0  }
0xc4: {  	[sflag:s0] =	ssyncadd.remote.s32 $0x1  }
0xc5: {  	_ =	sfence.sel $0xFFFF  }
0xc6: {  	[dreg:$0x0] =	wrdreg $0xFFFFFFFF;
	(pc) =	sbr.abs _section_cstart, $3  }
0xc7: {  	[dreg:$0x1] =	wrdreg $0xFFFFFFFF  }
0xc8: {  	_ =	task.clear_ibuf [dreg:s8], $0x2FFFF;
	_ =	strace $0x9FFFFFFF  }
0xc9: {  	(tm) =	ssettm $0x7FFFFFFF  }
tec
execute0_lowered:
.L_overlay_start_1:
0x0: {  	(tag) =	ssettag $0x1  }
0x1: {  	s1 =	rddreg [dreg:$0x0]  }
0x2: {  	s4 =	rddreg [dreg:$0x1]  }
0x3: {  	s5 =	rddreg [dreg:$0x2]  }
0x4: {  	s0 =	rddreg [dreg:$0x3];
	s6 =	srdreg.scid  }
0x5: {  	s3 =	simm.s32 $0x0;
	s2 =	stileid.u32;
	s10 =	simm.s32 $0x900  }
0x6: {  	s11 =	simm.s32 $0x1100;
	s12 =	simm.s32 $0x1900;
	s13 =	simm.s32 $0x2100  }
0x7: {  	s14 =	simm.s32 $0x2900;
	s15 =	simm.s32 $0x3100;
	s16 =	simm.s32 $0x3900  }
0x8: {  	s17 =	simm.s32 $0x4100;
	s18 =	simm.s32 $0x4900;
	s19 =	simm.s32 $0x5100  }
0x9: {  	s20 =	simm.s32 $0x5900;
	s21 =	simm.s32 $0x6100;
	s22 =	simm.s32 $0x6900  }
0xa: {  	s23 =	simm.s32 $0x7100;
	s24 =	simm.s32 $0x7900;
	s6 =	sand.u32 $0x1, s6  }
0xb: {  	s25 =	simm.s32 $0x1;
	s7 =	sshll.u32 s2, $0x9;
	s8 =	sshll.u32 s6, $0x8  }
0xc: {  	[smem:$0x7FF] =	sst s3;
	s6 =	ssub.s32 $0x2, s6;
	s7 =	sor.u32 s8, s7  }
0xd: {  	_ =	strace $0x80000047;
	s9 =	sshrl.u32 s6, $0x1;
	s8 =	sshrl.u32 s7, $0x3  }
0xe: {  	v2 =	vlaneseq.u32;
	s7 =	sshll.u32 s7, $0x5;
	s9 =	ssub.s32 s6, s9;
	s8 =	sadd.s32 s8, s4  }
0xf: {  	vm0 =	vmmov $0xffff;
	v1 =	vshrl.u32 v2, $0x3;
	s4 =	sadd.s32 s5, s7;
	s7 =	smax.u32 s9, $0x1;
	s9 =	simm.s32 $0x100  }
0x10: {  	v0 =	vand.u32 $0x7, v2;
	v2 =	vor.u32 $0x8, v2;
	v1 =	vmul.u32 $0x8, v1;
	s5 =	sadd.s32 $0x1C00, s8;
	s6 =	sadd.s32 $0x1000, s4;
	s8 =	simm.s32 $0x2  }
.LBB2_1:
0x11: {  	[tilespmem:s3], [sflag:$0x2] =	stream.linear.gather [hbm4b:s5+s3], $0x100, $0x38;
	[tilespmem:$0x8100] =	vst v63  }
0x12: {  	_ =	swait.ge [sflag:s8], $0x100  }
0x13: {  	[sflag:s8] =	ssyncset.done $0x0  }
0x14: {  	[sflag:s8] =	ssyncadd.s32 $0xFFFFFF00  }
0x15: {  	v3 =	vld [tilespmem:$0x0];
	_ =	sdelay $0x4  }
0x16: {  	v4 =	vshll.u32 v3, $0x1  }
0x17: {  	v3 =	vand.u32 $0x7, v3;
	v4 =	vand.u32 $0xFFFFFFF0, v4  }
0x18: {  	v3 =	vor.u32 v3, v4  }
0x19: {  	v4 =	vperm.xlane v3, v0;
	_ =	sdelay $0x1  }
0x1a: {  	v3 =	vperm.xlane v3, v2;
	v4 =	vadd.s32 v1, v4;
	_ =	sdelay $0x1  }
0x1b: {  	v3 =	vadd.s32 v1, v3;
	_ =	sdelay $0x2  }
0x1c: {  	[tilespmem:s9], [sflag:$0x1] =	stream.indirect_vreg.gather [hbm4b:s1+s3], $0x80, v4, vm0, $0xb8;
	[tilespmem:$0x8100] =	vst v63  }
0x1d: {  	_ = 	snop  }
0x1e: {  	[tilespmem:s10], [sflag:$0x1] =	stream.indirect_vreg.gather [hbm4b:s1+s3], $0x80, v3, vm0, $0xb8;
	[tilespmem:$0x8100] =	vst v63  }
0x1f: {  	v3 =	vld [tilespmem:$0x10];
	_ =	sdelay $0x4  }
0x20: {  	v49 =	vshll.u32 v3, $0x1  }
0x21: {  	v3 =	vand.u32 $0x7, v3;
	v4 =	vand.u32 $0xFFFFFFF0, v49  }
0x22: {  	v3 =	vor.u32 v3, v4  }
0x23: {  	v4 =	vperm.xlane v3, v0;
	_ =	sdelay $0x1  }
0x24: {  	v3 =	vperm.xlane v3, v2;
	v4 =	vadd.s32 v1, v4;
	_ =	sdelay $0x1  }
0x25: {  	v3 =	vadd.s32 v1, v3;
	_ =	sdelay $0x2  }
0x26: {  	[tilespmem:s11], [sflag:$0x1] =	stream.indirect_vreg.gather [hbm4b:s1+s3], $0x80, v4, vm0, $0xb8;
	[tilespmem:$0x8100] =	vst v63  }
0x27: {  	_ = 	snop  }
0x28: {  	[tilespmem:s12], [sflag:$0x1] =	stream.indirect_vreg.gather [hbm4b:s1+s3], $0x80, v3, vm0, $0xb8;
	[tilespmem:$0x8100] =	vst v63  }
0x29: {  	v3 =	vld [tilespmem:$0x20];
	_ =	sdelay $0x4  }
0x2a: {  	v50 =	vshll.u32 v3, $0x1  }
0x2b: {  	v3 =	vand.u32 $0x7, v3;
	v4 =	vand.u32 $0xFFFFFFF0, v50  }
0x2c: {  	v3 =	vor.u32 v3, v4  }
0x2d: {  	v4 =	vperm.xlane v3, v0;
	_ =	sdelay $0x1  }
0x2e: {  	v3 =	vperm.xlane v3, v2;
	v4 =	vadd.s32 v1, v4;
	_ =	sdelay $0x1  }
0x2f: {  	v3 =	vadd.s32 v1, v3;
	_ =	sdelay $0x2  }
0x30: {  	[tilespmem:s13], [sflag:$0x1] =	stream.indirect_vreg.gather [hbm4b:s1+s3], $0x80, v4, vm0, $0xb8;
	[tilespmem:$0x8100] =	vst v63  }
0x31: {  	_ = 	snop  }
0x32: {  	[tilespmem:s14], [sflag:$0x1] =	stream.indirect_vreg.gather [hbm4b:s1+s3], $0x80, v3, vm0, $0xb8;
	[tilespmem:$0x8100] =	vst v63  }
0x33: {  	v3 =	vld [tilespmem:$0x30];
	_ =	sdelay $0x4  }
0x34: {  	v51 =	vshll.u32 v3, $0x1  }
0x35: {  	v3 =	vand.u32 $0x7, v3;
	v4 =	vand.u32 $0xFFFFFFF0, v51  }
0x36: {  	v3 =	vor.u32 v3, v4  }
0x37: {  	v4 =	vperm.xlane v3, v0;
	_ =	sdelay $0x1  }
0x38: {  	v3 =	vperm.xlane v3, v2;
	v4 =	vadd.s32 v1, v4;
	_ =	sdelay $0x1  }
0x39: {  	v3 =	vadd.s32 v1, v3;
	_ =	sdelay $0x2  }
0x3a: {  	[tilespmem:s15], [sflag:$0x1] =	stream.indirect_vreg.gather [hbm4b:s1+s3], $0x80, v4, vm0, $0xb8;
	[tilespmem:$0x8100] =	vst v63  }
0x3b: {  	_ = 	snop  }
0x3c: {  	[tilespmem:s16], [sflag:$0x1] =	stream.indirect_vreg.gather [hbm4b:s1+s3], $0x80, v3, vm0, $0xb8;
	[tilespmem:$0x8100] =	vst v63  }
0x3d: {  	v3 =	vld [tilespmem:$0x40];
	_ =	sdelay $0x4  }
0x3e: {  	v52 =	vshll.u32 v3, $0x1  }
0x3f: {  	v3 =	vand.u32 $0x7, v3;
	v4 =	vand.u32 $0xFFFFFFF0, v52  }
0x40: {  	v3 =	vor.u32 v3, v4  }
0x41: {  	v4 =	vperm.xlane v3, v0;
	_ =	sdelay $0x1  }
0x42: {  	v3 =	vperm.xlane v3, v2;
	v4 =	vadd.s32 v1, v4;
	_ =	sdelay $0x1  }
0x43: {  	v3 =	vadd.s32 v1, v3;
	_ =	sdelay $0x2  }
0x44: {  	[tilespmem:s17], [sflag:$0x1] =	stream.indirect_vreg.gather [hbm4b:s1+s3], $0x80, v4, vm0, $0xb8;
	[tilespmem:$0x8100] =	vst v63  }
0x45: {  	_ = 	snop  }
0x46: {  	[tilespmem:s18], [sflag:$0x1] =	stream.indirect_vreg.gather [hbm4b:s1+s3], $0x80, v3, vm0, $0xb8;
	[tilespmem:$0x8100] =	vst v63  }
0x47: {  	v3 =	vld [tilespmem:$0x50];
	_ =	sdelay $0x4  }
0x48: {  	v53 =	vshll.u32 v3, $0x1  }
0x49: {  	v3 =	vand.u32 $0x7, v3;
	v4 =	vand.u32 $0xFFFFFFF0, v53  }
0x4a: {  	v3 =	vor.u32 v3, v4  }
0x4b: {  	v4 =	vperm.xlane v3, v0;
	_ =	sdelay $0x1  }
0x4c: {  	v3 =	vperm.xlane v3, v2;
	v4 =	vadd.s32 v1, v4;
	_ =	sdelay $0x1  }
0x4d: {  	v3 =	vadd.s32 v1, v3;
	_ =	sdelay $0x2  }
0x4e: {  	[tilespmem:s19], [sflag:$0x1] =	stream.indirect_vreg.gather [hbm4b:s1+s3], $0x80, v4, vm0, $0xb8;
	[tilespmem:$0x8100] =	vst v63  }
0x4f: {  	_ = 	snop  }
0x50: {  	[tilespmem:s20], [sflag:$0x1] =	stream.indirect_vreg.gather [hbm4b:s1+s3], $0x80, v3, vm0, $0xb8;
	[tilespmem:$0x8100] =	vst v63  }
0x51: {  	v3 =	vld [tilespmem:$0x60];
	_ =	sdelay $0x4  }
0x52: {  	v54 =	vshll.u32 v3, $0x1  }
0x53: {  	v3 =	vand.u32 $0x7, v3;
	v4 =	vand.u32 $0xFFFFFFF0, v54  }
0x54: {  	v3 =	vor.u32 v3, v4  }
0x55: {  	v4 =	vperm.xlane v3, v0;
	_ =	sdelay $0x1  }
0x56: {  	v3 =	vperm.xlane v3, v2;
	v4 =	vadd.s32 v1, v4;
	_ =	sdelay $0x1  }
0x57: {  	v3 =	vadd.s32 v1, v3;
	_ =	sdelay $0x2  }
0x58: {  	[tilespmem:s21], [sflag:$0x1] =	stream.indirect_vreg.gather [hbm4b:s1+s3], $0x80, v4, vm0, $0xb8;
	[tilespmem:$0x8100] =	vst v63  }
0x59: {  	_ = 	snop  }
0x5a: {  	[tilespmem:s22], [sflag:$0x1] =	stream.indirect_vreg.gather [hbm4b:s1+s3], $0x80, v3, vm0, $0xb8;
	[tilespmem:$0x8100] =	vst v63  }
0x5b: {  	v3 =	vld [tilespmem:$0x70];
	_ =	sdelay $0x4  }
0x5c: {  	v55 =	vshll.u32 v3, $0x1  }
0x5d: {  	v3 =	vand.u32 $0x7, v3;
	v4 =	vand.u32 $0xFFFFFFF0, v55  }
0x5e: {  	v3 =	vor.u32 v3, v4  }
0x5f: {  	v4 =	vperm.xlane v3, v0;
	_ =	sdelay $0x1  }
0x60: {  	v3 =	vperm.xlane v3, v2;
	v4 =	vadd.s32 v1, v4;
	_ =	sdelay $0x1  }
0x61: {  	v3 =	vadd.s32 v1, v3;
	_ =	sdelay $0x2  }
0x62: {  	[tilespmem:s23], [sflag:$0x1] =	stream.indirect_vreg.gather [hbm4b:s1+s3], $0x80, v4, vm0, $0xb8;
	[tilespmem:$0x8100] =	vst v63  }
0x63: {  	_ = 	snop  }
0x64: {  	[tilespmem:s24], [sflag:$0x1] =	stream.indirect_vreg.gather [hbm4b:s1+s3], $0x80, v3, vm0, $0xb8;
	[tilespmem:$0x8100] =	vst v63  }
0x65: {  	_ =	swait.ge [sflag:s25], $0x8000  }
0x66: {  	[sflag:s25] =	ssyncset.done $0x0  }
0x67: {  	[sflag:s25] =	ssyncadd.s32 $0xFFFF8000  }
0x68: {  	[hbm4b:s4+s3] =	stream.linear.scatter [tilespmem:s9], [sflag:$0x2], $0x8000, $0x38;
	[tilespmem:$0x8100] =	vst v63  }
0x69: {  	_ =	swait.ge [sflag:s8], $0x8000  }
0x6a: {  	[sflag:s8] =	ssyncset.done $0x0  }
0x6b: {  	[sflag:s8] =	ssyncadd.s32 $0xFFFF8000  }
0x6c: {  	v3 =	vld [tilespmem:$0x80];
	_ =	sdelay $0x4  }
0x6d: {  	v56 =	vshll.u32 v3, $0x1  }
0x6e: {  	v3 =	vand.u32 $0x7, v3;
	v4 =	vand.u32 $0xFFFFFFF0, v56  }
0x6f: {  	v3 =	vor.u32 v3, v4  }
0x70: {  	v4 =	vperm.xlane v3, v0;
	_ =	sdelay $0x1  }
0x71: {  	v3 =	vperm.xlane v3, v2;
	v4 =	vadd.s32 v1, v4;
	_ =	sdelay $0x1  }
0x72: {  	v3 =	vadd.s32 v1, v3;
	_ =	sdelay $0x2  }
0x73: {  	[tilespmem:s9], [sflag:$0x1] =	stream.indirect_vreg.gather [hbm4b:s1+s3], $0x80, v4, vm0, $0xb8;
	[tilespmem:$0x8100] =	vst v63  }
0x74: {  	_ = 	snop  }
0x75: {  	[tilespmem:s10], [sflag:$0x1] =	stream.indirect_vreg.gather [hbm4b:s1+s3], $0x80, v3, vm0, $0xb8;
	[tilespmem:$0x8100] =	vst v63  }
0x76: {  	v3 =	vld [tilespmem:$0x90];
	_ =	sdelay $0x4  }
0x77: {  	v57 =	vshll.u32 v3, $0x1  }
0x78: {  	v3 =	vand.u32 $0x7, v3;
	v4 =	vand.u32 $0xFFFFFFF0, v57  }
0x79: {  	v3 =	vor.u32 v3, v4  }
0x7a: {  	v4 =	vperm.xlane v3, v0;
	_ =	sdelay $0x1  }
0x7b: {  	v3 =	vperm.xlane v3, v2;
	v4 =	vadd.s32 v1, v4;
	_ =	sdelay $0x1  }
0x7c: {  	v3 =	vadd.s32 v1, v3;
	_ =	sdelay $0x2  }
0x7d: {  	[tilespmem:s11], [sflag:$0x1] =	stream.indirect_vreg.gather [hbm4b:s1+s3], $0x80, v4, vm0, $0xb8;
	[tilespmem:$0x8100] =	vst v63  }
0x7e: {  	_ = 	snop  }
0x7f: {  	[tilespmem:s12], [sflag:$0x1] =	stream.indirect_vreg.gather [hbm4b:s1+s3], $0x80, v3, vm0, $0xb8;
	[tilespmem:$0x8100] =	vst v63  }
0x80: {  	v3 =	vld [tilespmem:$0xA0];
	_ =	sdelay $0x4  }
0x81: {  	v58 =	vshll.u32 v3, $0x1  }
0x82: {  	v3 =	vand.u32 $0x7, v3;
	v4 =	vand.u32 $0xFFFFFFF0, v58  }
0x83: {  	v3 =	vor.u32 v3, v4  }
0x84: {  	v4 =	vperm.xlane v3, v0;
	_ =	sdelay $0x1  }
0x85: {  	v3 =	vperm.xlane v3, v2;
	v4 =	vadd.s32 v1, v4;
	_ =	sdelay $0x1  }
0x86: {  	v3 =	vadd.s32 v1, v3;
	_ =	sdelay $0x2  }
0x87: {  	[tilespmem:s13], [sflag:$0x1] =	stream.indirect_vreg.gather [hbm4b:s1+s3], $0x80, v4, vm0, $0xb8;
	[tilespmem:$0x8100] =	vst v63  }
0x88: {  	_ = 	snop  }
0x89: {  	[tilespmem:s14], [sflag:$0x1] =	stream.indirect_vreg.gather [hbm4b:s1+s3], $0x80, v3, vm0, $0xb8;
	[tilespmem:$0x8100] =	vst v63  }
0x8a: {  	v3 =	vld [tilespmem:$0xB0];
	_ =	sdelay $0x4  }
0x8b: {  	v59 =	vshll.u32 v3, $0x1  }
0x8c: {  	v3 =	vand.u32 $0x7, v3;
	v4 =	vand.u32 $0xFFFFFFF0, v59  }
0x8d: {  	v3 =	vor.u32 v3, v4  }
0x8e: {  	v4 =	vperm.xlane v3, v0;
	_ =	sdelay $0x1  }
0x8f: {  	v3 =	vperm.xlane v3, v2;
	v4 =	vadd.s32 v1, v4;
	_ =	sdelay $0x1  }
0x90: {  	v3 =	vadd.s32 v1, v3;
	_ =	sdelay $0x2  }
0x91: {  	[tilespmem:s15], [sflag:$0x1] =	stream.indirect_vreg.gather [hbm4b:s1+s3], $0x80, v4, vm0, $0xb8;
	[tilespmem:$0x8100] =	vst v63  }
0x92: {  	_ = 	snop  }
0x93: {  	[tilespmem:s16], [sflag:$0x1] =	stream.indirect_vreg.gather [hbm4b:s1+s3], $0x80, v3, vm0, $0xb8;
	[tilespmem:$0x8100] =	vst v63  }
0x94: {  	v3 =	vld [tilespmem:$0xC0];
	_ =	sdelay $0x4  }
0x95: {  	v60 =	vshll.u32 v3, $0x1  }
0x96: {  	v3 =	vand.u32 $0x7, v3;
	v4 =	vand.u32 $0xFFFFFFF0, v60  }
0x97: {  	v3 =	vor.u32 v3, v4  }
0x98: {  	v4 =	vperm.xlane v3, v0;
	_ =	sdelay $0x1  }
0x99: {  	v3 =	vperm.xlane v3, v2;
	v4 =	vadd.s32 v1, v4;
	_ =	sdelay $0x1  }
0x9a: {  	v3 =	vadd.s32 v1, v3;
	_ =	sdelay $0x2  }
0x9b: {  	[tilespmem:s17], [sflag:$0x1] =	stream.indirect_vreg.gather [hbm4b:s1+s3], $0x80, v4, vm0, $0xb8;
	[tilespmem:$0x8100] =	vst v63  }
0x9c: {  	_ = 	snop  }
0x9d: {  	[tilespmem:s18], [sflag:$0x1] =	stream.indirect_vreg.gather [hbm4b:s1+s3], $0x80, v3, vm0, $0xb8;
	[tilespmem:$0x8100] =	vst v63  }
0x9e: {  	v3 =	vld [tilespmem:$0xD0];
	_ =	sdelay $0x4  }
0x9f: {  	v61 =	vshll.u32 v3, $0x1  }
0xa0: {  	v3 =	vand.u32 $0x7, v3;
	v4 =	vand.u32 $0xFFFFFFF0, v61  }
0xa1: {  	v3 =	vor.u32 v3, v4  }
0xa2: {  	v4 =	vperm.xlane v3, v0;
	_ =	sdelay $0x1  }
0xa3: {  	v3 =	vperm.xlane v3, v2;
	v4 =	vadd.s32 v1, v4;
	_ =	sdelay $0x1  }
0xa4: {  	v3 =	vadd.s32 v1, v3;
	_ =	sdelay $0x2  }
0xa5: {  	[tilespmem:s19], [sflag:$0x1] =	stream.indirect_vreg.gather [hbm4b:s1+s3], $0x80, v4, vm0, $0xb8;
	[tilespmem:$0x8100] =	vst v63  }
0xa6: {  	_ = 	snop  }
0xa7: {  	[tilespmem:s20], [sflag:$0x1] =	stream.indirect_vreg.gather [hbm4b:s1+s3], $0x80, v3, vm0, $0xb8;
	[tilespmem:$0x8100] =	vst v63  }
0xa8: {  	v3 =	vld [tilespmem:$0xE0];
	_ =	sdelay $0x4  }
0xa9: {  	v62 =	vshll.u32 v3, $0x1  }
0xaa: {  	v3 =	vand.u32 $0x7, v3;
	v4 =	vand.u32 $0xFFFFFFF0, v62  }
0xab: {  	v3 =	vor.u32 v3, v4  }
0xac: {  	v4 =	vperm.xlane v3, v0;
	_ =	sdelay $0x1  }
0xad: {  	v3 =	vperm.xlane v3, v2;
	v4 =	vadd.s32 v1, v4;
	_ =	sdelay $0x1  }
0xae: {  	v3 =	vadd.s32 v1, v3;
	_ =	sdelay $0x2  }
0xaf: {  	[tilespmem:s21], [sflag:$0x1] =	stream.indirect_vreg.gather [hbm4b:s1+s3], $0x80, v4, vm0, $0xb8;
	[tilespmem:$0x8100] =	vst v63  }
0xb0: {  	_ = 	snop  }
0xb1: {  	[tilespmem:s22], [sflag:$0x1] =	stream.indirect_vreg.gather [hbm4b:s1+s3], $0x80, v3, vm0, $0xb8;
	[tilespmem:$0x8100] =	vst v63  }
0xb2: {  	v3 =	vld [tilespmem:$0xF0];
	_ =	sdelay $0x4  }
0xb3: {  	v63 =	vshll.u32 v3, $0x1  }
0xb4: {  	v3 =	vand.u32 $0x7, v3;
	v4 =	vand.u32 $0xFFFFFFF0, v63  }
0xb5: {  	v3 =	vor.u32 v3, v4  }
0xb6: {  	v4 =	vperm.xlane v3, v0;
	_ =	sdelay $0x1  }
0xb7: {  	v3 =	vperm.xlane v3, v2;
	v4 =	vadd.s32 v1, v4;
	_ =	sdelay $0x1  }
0xb8: {  	v3 =	vadd.s32 v1, v3;
	_ =	sdelay $0x2  }
0xb9: {  	[tilespmem:s23], [sflag:$0x1] =	stream.indirect_vreg.gather [hbm4b:s1+s3], $0x80, v4, vm0, $0xb8;
	[tilespmem:$0x8100] =	vst v63  }
0xba: {  	_ = 	snop  }
0xbb: {  	[tilespmem:s24], [sflag:$0x1] =	stream.indirect_vreg.gather [hbm4b:s1+s3], $0x80, v3, vm0, $0xb8;
	[tilespmem:$0x8100] =	vst v63  }
0xbc: {  	_ =	swait.ge [sflag:s25], $0x8000  }
0xbd: {  	p0 =	sne.s32 s7, $0x1;
	[sflag:s25] =	ssyncset.done $0x0  }
.Ltmp0:
0xbe: {  	[sflag:s25] =	ssyncadd.s32 $0xFFFF8000;
	(pc) =	sbr.rel @p0 .LBB2_1-.Ltmp0, $4  }
0xbf: {  	[hbm4b:s6+s3] =	stream.linear.scatter [tilespmem:s9], [sflag:$0x2], $0x8000, $0x38;
	[tilespmem:$0x8100] =	vst v63  }
0xc0: {  	_ =	swait.ge [sflag:s8], $0x8000  }
0xc1: {  	[sflag:s8] =	ssyncset.done $0x0  }
0xc2: {  	s7 =	sadd.s32 $0xFFFFFFFF, s7;
	[sflag:s8] =	ssyncadd.s32 $0xFFFF8000  }
0xc3: {  	_ =	sfence.sel $0x180000  }
0xc4: {  	[bflag:$0x0] =	sbarrier.arrive $0xFFFF  }
0xc5: {  	p0 =	sne.s32 s2, $0x0;
	_ =	strace $0x90000047  }
0xc6: {  	s0 =	sadd.s32 @!p0 $0x100000, s0;
	[bflag:$0x2] =	sbarrier.arrive $0xFFFF  }
0xc7: {  	[sflag:s0] =	ssyncadd.tile.s32 @!p0 $0x1;
	_ =	shalt  }
.Lfunc_end2:
_tile_overlayer_lowered:
.L_overlay_start_2:
0xc8: {  	(tag) =	ssettag $0x2  }
0xc9: {  	s0 =	rddreg [dreg:$0x0];
	s2 =	stileid.u32  }
0xca: {  	s1 =	rddreg [dreg:$0x1];
	p0 =	sne.s32 s2, $0x0  }
0xcb: {  	s3 =	rddreg [dreg:$0x2];
	[bflag:$0x3] =	sbarrier.arrive $0xFFFF;
	s2 =	simm.s32 @!p0 $0x1C02  }
0xcc: {  	[timem:s3], [sflag:s2] =	dma.local @!p0 [hbm:s0], s1  }
0xcd: {  	s0 =	simm.s32 @!p0 $0x2  }
0xce: {  	_ =	swait.ge @!p0 [sflag:s0], s1  }
0xcf: {  	s1 =	ssub.s32 @!p0 $0x0, s1;
	[sflag:s0] =	ssyncset.done @!p0 $0x0  }
0xd0: {  	[sflag:s0] =	ssyncadd.s32 @!p0 s1  }
0xd1: {  	[bflag:$0x3] =	sbarrier.arrive $0xFFFF  }
0xd2: {  	_ =	shalt  }

</sc_bundles>
